<compile_context>
chip_gen: v7x
topology: tpu7x:2x2x1
jax: 0.10.2.dev20260603
libtpu: 0.0.44.dev20260713+nightly
codegen_flags: <defaults>
</compile_context>

<pallas_src>
import functools

import jax
import jax.numpy as jnp
from jax import lax
from jax.experimental import pallas as pl
from jax.experimental.pallas import tpu as pltpu
from jax.experimental.pallas import tpu_sc as plsc

_NUM_CORES = 2
_NUM_SUBCORES = 16
_LANES = 16
_NW = _NUM_CORES * _NUM_SUBCORES


_N_CHUNKS = 4


def _make_gather(n_rows, n_sub, d, b):
    assert b % (8 * _NW) == 0
    b_per_w = b // _NW
    chunk = b_per_w // _N_CHUNKS
    assert chunk % 8 == 0
    mesh = plsc.VectorSubcoreMesh(core_axis_name="c", subcore_axis_name="s")

    @functools.partial(
        pl.kernel,
        mesh=mesh,
        out_type=jax.ShapeDtypeStruct((b, d), jnp.float32),
        scratch_types=[
            pltpu.VMEM((b_per_w,), jnp.int32),
            pltpu.VMEM((b_per_w,), jnp.int32),
            pltpu.VMEM((b_per_w,), jnp.int32),
            pltpu.VMEM((b_per_w, d), jnp.float32),
            pltpu.SemaphoreType.DMA,
            pltpu.SemaphoreType.DMA,
            [pltpu.SemaphoreType.DMA] * _N_CHUNKS,
            [pltpu.SemaphoreType.DMA] * _N_CHUNKS,
        ],
    )
    def gather_kernel(table_hbm, ds_hbm, sub_hbm, out_hbm,
                      ds_v, sub_v, flat_v, rows_v,
                      sem_ds, sem_sub, gsems, ssems):
        wid = lax.axis_index("s") * _NUM_CORES + lax.axis_index("c")
        base = wid * b_per_w
        ds_cp = pltpu.async_copy(ds_hbm.at[pl.ds(base, b_per_w)], ds_v, sem_ds)
        sub_cp = pltpu.async_copy(sub_hbm.at[pl.ds(base, b_per_w)], sub_v,
                                  sem_sub)
        ds_cp.wait()
        sub_cp.wait()
        gathers = []
        for c in range(_N_CHUNKS):
            for i in range(chunk // _LANES):
                sl = pl.ds(c * chunk + i * _LANES, _LANES)
                flat_v[sl] = ds_v[sl] * n_sub + sub_v[sl]
            gathers.append(pltpu.async_copy(
                table_hbm.at[flat_v.at[pl.ds(c * chunk, chunk)]],
                rows_v.at[pl.ds(c * chunk, chunk)], gsems[c]))
        stores = []
        for c in range(_N_CHUNKS):
            gathers[c].wait()
            stores.append(pltpu.async_copy(
                rows_v.at[pl.ds(c * chunk, chunk)],
                out_hbm.at[pl.ds(base + c * chunk, chunk)], ssems[c]))
        for c in range(_N_CHUNKS):
            stores[c].wait()

    return gather_kernel


def kernel(table, dataset_idx, subject_idx):
    n_ds, n_sub, d = table.shape
    (b,) = dataset_idx.shape
    flat_table = table.reshape(n_ds * n_sub, d)
    fn = _make_gather(n_ds * n_sub, n_sub, d, b)
    return fn(flat_table,
              dataset_idx.astype(jnp.int32),
              subject_idx.astype(jnp.int32))

# --- scband reference (transcript-rebuilt; emitter-appended) ---
"""Pipeline reference for scband-subject-embedding-37898791420257 (READ-ONLY COPY).

The authoritative reference and input builder live on the scoring server;
editing this copy changes nothing except your own understanding.
"""

import jax, jax.numpy as jnp
import numpy as np

N_DATASETS = 4
N_SUBJECTS = 1000
EMBED_DIM = 128
BATCH = 4096


def setup_inputs(seed: int = 0) -> dict:
    key = jax.random.key(seed)
    k_tab, k_ds, k_sub = jax.random.split(key, 3)
    # The original module stores one learned vector per (dataset_key, subject_key)
    # in nested ParameterDicts. We materialize the equivalent dense parameter
    # table of shape [n_datasets, n_subjects, embedding_dim] (each row initialized
    # with randn, matching torch.randn(embedding_dim) per subject).
    table = jax.random.normal(k_tab, (N_DATASETS, N_SUBJECTS, EMBED_DIM), dtype=jnp.float32)
    dataset_idx = jax.random.randint(k_ds, (BATCH,), 0, N_DATASETS, dtype=jnp.int64 if jax.config.jax_enable_x64 else jnp.int32)
    subject_idx = jax.random.randint(k_sub, (BATCH,), 0, N_SUBJECTS, dtype=jnp.int64 if jax.config.jax_enable_x64 else jnp.int32)
    return {"table": table, "dataset_idx": dataset_idx, "subject_idx": subject_idx}


def reference(table, dataset_idx, subject_idx):
    # Faithful translation of forward(dataset_key, subject_key):
    #   self.subject_embeddings[dataset_key][subject_key]
    # i.e. a pure gather of the learned per-subject embedding vector.
    # Batched over a batch of (dataset, subject) key pairs.
    return table[dataset_idx, subject_idx]

if __name__ == "__main__":
    import jax
    _d = setup_inputs()
    print(jax.jit(kernel)(*tuple(_d.values())))

</pallas_src>

<mosaic_0001>
#map = affine_map<(d0, d1) -> (0, 0)>
#map1 = affine_map<(d0, d1) -> (0)>
module attributes {stable_mosaic.version = 14 : i64} {
  func.func @gather_kernel(%arg0: i32, %arg1: i32, %arg2: memref<4000x128xf32, #tpu.memory_space<hbm>>, %arg3: memref<4096xi32, #tpu.memory_space<hbm>>, %arg4: memref<4096xi32, #tpu.memory_space<hbm>>, %arg5: memref<4096x128xf32, #tpu.memory_space<hbm>>, %arg6: memref<128xi32, #tpu.memory_space<vmem>>, %arg7: memref<128xi32, #tpu.memory_space<vmem>>, %arg8: memref<128xi32, #tpu.memory_space<vmem>>, %arg9: memref<128x128xf32, #tpu.memory_space<vmem>>, %arg10: memref<!tpu.dma_semaphore, #tpu.memory_space<semaphore_mem>>, %arg11: memref<!tpu.dma_semaphore, #tpu.memory_space<semaphore_mem>>, %arg12: memref<!tpu.dma_semaphore, #tpu.memory_space<semaphore_mem>>, %arg13: memref<!tpu.dma_semaphore, #tpu.memory_space<semaphore_mem>>, %arg14: memref<!tpu.dma_semaphore, #tpu.memory_space<semaphore_mem>>, %arg15: memref<!tpu.dma_semaphore, #tpu.memory_space<semaphore_mem>>, %arg16: memref<!tpu.dma_semaphore, #tpu.memory_space<semaphore_mem>>, %arg17: memref<!tpu.dma_semaphore, #tpu.memory_space<semaphore_mem>>, %arg18: memref<!tpu.dma_semaphore, #tpu.memory_space<semaphore_mem>>, %arg19: memref<!tpu.dma_semaphore, #tpu.memory_space<semaphore_mem>>) attributes {dimension_semantics = [#tpu.dimension_semantics<core_parallel>, #tpu.dimension_semantics<subcore_parallel>], iteration_bounds = array<i64: 2, 16>, scalar_prefetch = 0 : i64, scratch_operands = 14 : i64, tpu.core_type = #tpu.core_type<sc_vector_subcore>, window_params = [{transform_indices = #map}, {transform_indices = #map1}, {transform_indices = #map1}, {transform_indices = #map}]} {
    %mul3A = arith.constant 2 : i32
    %mul3A_0 = arith.muli %arg1, %mul3A : i32
    %add3A = arith.addi %mul3A_0, %arg0 : i32
    %mul3A_1 = arith.constant 128 : i32
    %mul3A_2 = arith.muli %add3A, %mul3A_1 : i32
    %dma_start3A = tpu.memref_slice %arg3[%mul3A_2] : memref<4096xi32, #tpu.memory_space<hbm>> -> memref<128xi32, #tpu.memory_space<hbm>>
    %dma_start3A_3 = tpu.memref_slice %arg3[%mul3A_2] : memref<4096xi32, #tpu.memory_space<hbm>> -> memref<128xi32, #tpu.memory_space<hbm>>
    tpu.enqueue_dma source(%dma_start3A_3 : memref<128xi32, #tpu.memory_space<hbm>>) target(%arg6 : memref<128xi32, #tpu.memory_space<vmem>>) target_semaphore(%arg10 : memref<!tpu.dma_semaphore, #tpu.memory_space<semaphore_mem>>)
    %dma_start3A_4 = tpu.memref_slice %arg4[%mul3A_2] : memref<4096xi32, #tpu.memory_space<hbm>> -> memref<128xi32, #tpu.memory_space<hbm>>
    %dma_start3A_5 = tpu.memref_slice %arg4[%mul3A_2] : memref<4096xi32, #tpu.memory_space<hbm>> -> memref<128xi32, #tpu.memory_space<hbm>>
    tpu.enqueue_dma source(%dma_start3A_5 : memref<128xi32, #tpu.memory_space<hbm>>) target(%arg7 : memref<128xi32, #tpu.memory_space<vmem>>) target_semaphore(%arg11 : memref<!tpu.dma_semaphore, #tpu.memory_space<semaphore_mem>>)
    %dma_wait3A = tpu.memref_slice %arg3[%mul3A_2] : memref<4096xi32, #tpu.memory_space<hbm>> -> memref<128xi32, #tpu.memory_space<hbm>>
    %dma_wait3A_6 = tpu.memref_slice %arg3[%mul3A_2] : memref<4096xi32, #tpu.memory_space<hbm>> -> memref<128xi32, #tpu.memory_space<hbm>>
    tpu.wait_dma2 semaphore(%arg10 : memref<!tpu.dma_semaphore, #tpu.memory_space<semaphore_mem>>) src(%dma_wait3A_6 : memref<128xi32, #tpu.memory_space<hbm>>) dst(%arg6 : memref<128xi32, #tpu.memory_space<vmem>>)
    %dma_wait3A_7 = tpu.memref_slice %arg4[%mul3A_2] : memref<4096xi32, #tpu.memory_space<hbm>> -> memref<128xi32, #tpu.memory_space<hbm>>
    %dma_wait3A_8 = tpu.memref_slice %arg4[%mul3A_2] : memref<4096xi32, #tpu.memory_space<hbm>> -> memref<128xi32, #tpu.memory_space<hbm>>
    tpu.wait_dma2 semaphore(%arg11 : memref<!tpu.dma_semaphore, #tpu.memory_space<semaphore_mem>>) src(%dma_wait3A_8 : memref<128xi32, #tpu.memory_space<hbm>>) dst(%arg7 : memref<128xi32, #tpu.memory_space<vmem>>)
    %get3A = arith.constant 0 : index
    %get3A_9 = tpu.vector_load %arg6[%get3A] {strides = array<i32>} : memref<128xi32, #tpu.memory_space<vmem>>, vector<16xi32>,
    %get3A_10 = vector.shape_cast %get3A_9 : vector<16xi32> to vector<16xi32>
    %mul3A_11 = arith.constant 1000 : i32
    %mul3A_12 = vector.broadcast %mul3A_11 : i32 to vector<16xi32>
    %mul3A_13 = arith.muli %get3A_10, %mul3A_12 : vector<16xi32>
    %get3A_14 = arith.constant 0 : index
    %get3A_15 = tpu.vector_load %arg7[%get3A_14] {strides = array<i32>} : memref<128xi32, #tpu.memory_space<vmem>>, vector<16xi32>,
    %get3A_16 = vector.shape_cast %get3A_15 : vector<16xi32> to vector<16xi32>
    %add3A_17 = arith.addi %mul3A_13, %get3A_16 : vector<16xi32>
    %swap3A = arith.constant 0 : index
    %swap3A_18 = tpu.vector_load %arg8[%swap3A] {strides = array<i32>} : memref<128xi32, #tpu.memory_space<vmem>>, vector<16xi32>,
    %swap3A_19 = vector.shape_cast %swap3A_18 : vector<16xi32> to vector<16xi32>
    %swap3A_20 = vector.shape_cast %add3A_17 : vector<16xi32> to vector<16xi32>
    tpu.vector_store %arg8[%swap3A], %swap3A_20 {strides = array<i32>} : memref<128xi32, #tpu.memory_space<vmem>>, vector<16xi32>,
    %get3A_21 = arith.constant 16 : index
    %get3A_22 = tpu.vector_load %arg6[%get3A_21] {strides = array<i32>} : memref<128xi32, #tpu.memory_space<vmem>>, vector<16xi32>,
    %get3A_23 = vector.shape_cast %get3A_22 : vector<16xi32> to vector<16xi32>
    %mul3A_24 = arith.constant 1000 : i32
    %mul3A_25 = vector.broadcast %mul3A_24 : i32 to vector<16xi32>
    %mul3A_26 = arith.muli %get3A_23, %mul3A_25 : vector<16xi32>
    %get3A_27 = arith.constant 16 : index
    %get3A_28 = tpu.vector_load %arg7[%get3A_27] {strides = array<i32>} : memref<128xi32, #tpu.memory_space<vmem>>, vector<16xi32>,
    %get3A_29 = vector.shape_cast %get3A_28 : vector<16xi32> to vector<16xi32>
    %add3A_30 = arith.addi %mul3A_26, %get3A_29 : vector<16xi32>
    %swap3A_31 = arith.constant 16 : index
    %swap3A_32 = tpu.vector_load %arg8[%swap3A_31] {strides = array<i32>} : memref<128xi32, #tpu.memory_space<vmem>>, vector<16xi32>,
    %swap3A_33 = vector.shape_cast %swap3A_32 : vector<16xi32> to vector<16xi32>
    %swap3A_34 = vector.shape_cast %add3A_30 : vector<16xi32> to vector<16xi32>
    tpu.vector_store %arg8[%swap3A_31], %swap3A_34 {strides = array<i32>} : memref<128xi32, #tpu.memory_space<vmem>>, vector<16xi32>,
    %dma_start3A_35 = arith.constant 0 : i32
    %dma_start3A_36 = arith.constant 0 : i32
    %dma_start3A_37 = tpu.memref_slice %arg9[%dma_start3A_35, %dma_start3A_36] : memref<128x128xf32, #tpu.memory_space<vmem>> -> memref<32x128xf32, #tpu.memory_space<vmem>>
    %dma_start3A_38 = arith.constant 0 : i32
    %dma_start3A_39 = tpu.memref_slice %arg8[%dma_start3A_38] : memref<128xi32, #tpu.memory_space<vmem>> -> memref<32xi32, #tpu.memory_space<vmem>>
    %dma_start3A_40 = arith.constant 0 : i32
    %dma_start3A_41 = arith.constant 0 : i32
    %dma_start3A_42 = tpu.memref_slice %arg2[%dma_start3A_40, %dma_start3A_41] : memref<4000x128xf32, #tpu.memory_space<hbm>> -> memref<4000x128xf32, #tpu.memory_space<hbm>>
    tpu.enqueue_indirect_dma source(%dma_start3A_42 : memref<4000x128xf32, #tpu.memory_space<hbm>>) target(%dma_start3A_37 : memref<32x128xf32, #tpu.memory_space<vmem>>) offsets(%dma_start3A_39 : memref<32xi32, #tpu.memory_space<vmem>>) semaphore(%arg12 : memref<!tpu.dma_semaphore, #tpu.memory_space<semaphore_mem>>)
    %get3A_43 = arith.constant 32 : index
    %get3A_44 = tpu.vector_load %arg6[%get3A_43] {strides = array<i32>} : memref<128xi32, #tpu.memory_space<vmem>>, vector<16xi32>,
    %get3A_45 = vector.shape_cast %get3A_44 : vector<16xi32> to vector<16xi32>
    %mul3A_46 = arith.constant 1000 : i32
    %mul3A_47 = vector.broadcast %mul3A_46 : i32 to vector<16xi32>
    %mul3A_48 = arith.muli %get3A_45, %mul3A_47 : vector<16xi32>
    %get3A_49 = arith.constant 32 : index
    %get3A_50 = tpu.vector_load %arg7[%get3A_49] {strides = array<i32>} : memref<128xi32, #tpu.memory_space<vmem>>, vector<16xi32>,
    %get3A_51 = vector.shape_cast %get3A_50 : vector<16xi32> to vector<16xi32>
    %add3A_52 = arith.addi %mul3A_48, %get3A_51 : vector<16xi32>
    %swap3A_53 = arith.constant 32 : index
    %swap3A_54 = tpu.vector_load %arg8[%swap3A_53] {strides = array<i32>} : memref<128xi32, #tpu.memory_space<vmem>>, vector<16xi32>,
    %swap3A_55 = vector.shape_cast %swap3A_54 : vector<16xi32> to vector<16xi32>
    %swap3A_56 = vector.shape_cast %add3A_52 : vector<16xi32> to vector<16xi32>
    tpu.vector_store %arg8[%swap3A_53], %swap3A_56 {strides = array<i32>} : memref<128xi32, #tpu.memory_space<vmem>>, vector<16xi32>,
    %get3A_57 = arith.constant 48 : index
    %get3A_58 = tpu.vector_load %arg6[%get3A_57] {strides = array<i32>} : memref<128xi32, #tpu.memory_space<vmem>>, vector<16xi32>,
    %get3A_59 = vector.shape_cast %get3A_58 : vector<16xi32> to vector<16xi32>
    %mul3A_60 = arith.constant 1000 : i32
    %mul3A_61 = vector.broadcast %mul3A_60 : i32 to vector<16xi32>
    %mul3A_62 = arith.muli %get3A_59, %mul3A_61 : vector<16xi32>
    %get3A_63 = arith.constant 48 : index
    %get3A_64 = tpu.vector_load %arg7[%get3A_63] {strides = array<i32>} : memref<128xi32, #tpu.memory_space<vmem>>, vector<16xi32>,
    %get3A_65 = vector.shape_cast %get3A_64 : vector<16xi32> to vector<16xi32>
    %add3A_66 = arith.addi %mul3A_62, %get3A_65 : vector<16xi32>
    %swap3A_67 = arith.constant 48 : index
    %swap3A_68 = tpu.vector_load %arg8[%swap3A_67] {strides = array<i32>} : memref<128xi32, #tpu.memory_space<vmem>>, vector<16xi32>,
    %swap3A_69 = vector.shape_cast %swap3A_68 : vector<16xi32> to vector<16xi32>
    %swap3A_70 = vector.shape_cast %add3A_66 : vector<16xi32> to vector<16xi32>
    tpu.vector_store %arg8[%swap3A_67], %swap3A_70 {strides = array<i32>} : memref<128xi32, #tpu.memory_space<vmem>>, vector<16xi32>,
    %dma_start3A_71 = arith.constant 32 : i32
    %dma_start3A_72 = arith.constant 0 : i32
    %dma_start3A_73 = tpu.memref_slice %arg9[%dma_start3A_71, %dma_start3A_72] : memref<128x128xf32, #tpu.memory_space<vmem>> -> memref<32x128xf32, #tpu.memory_space<vmem>>
    %dma_start3A_74 = arith.constant 32 : i32
    %dma_start3A_75 = tpu.memref_slice %arg8[%dma_start3A_74] : memref<128xi32, #tpu.memory_space<vmem>> -> memref<32xi32, #tpu.memory_space<vmem>>
    %dma_start3A_76 = arith.constant 0 : i32
    %dma_start3A_77 = arith.constant 0 : i32
    %dma_start3A_78 = tpu.memref_slice %arg2[%dma_start3A_76, %dma_start3A_77] : memref<4000x128xf32, #tpu.memory_space<hbm>> -> memref<4000x128xf32, #tpu.memory_space<hbm>>
    tpu.enqueue_indirect_dma source(%dma_start3A_78 : memref<4000x128xf32, #tpu.memory_space<hbm>>) target(%dma_start3A_73 : memref<32x128xf32, #tpu.memory_space<vmem>>) offsets(%dma_start3A_75 : memref<32xi32, #tpu.memory_space<vmem>>) semaphore(%arg13 : memref<!tpu.dma_semaphore, #tpu.memory_space<semaphore_mem>>)
    %get3A_79 = arith.constant 64 : index
    %get3A_80 = tpu.vector_load %arg6[%get3A_79] {strides = array<i32>} : memref<128xi32, #tpu.memory_space<vmem>>, vector<16xi32>,
    %get3A_81 = vector.shape_cast %get3A_80 : vector<16xi32> to vector<16xi32>
    %mul3A_82 = arith.constant 1000 : i32
    %mul3A_83 = vector.broadcast %mul3A_82 : i32 to vector<16xi32>
    %mul3A_84 = arith.muli %get3A_81, %mul3A_83 : vector<16xi32>
    %get3A_85 = arith.constant 64 : index
    %get3A_86 = tpu.vector_load %arg7[%get3A_85] {strides = array<i32>} : memref<128xi32, #tpu.memory_space<vmem>>, vector<16xi32>,
    %get3A_87 = vector.shape_cast %get3A_86 : vector<16xi32> to vector<16xi32>
    %add3A_88 = arith.addi %mul3A_84, %get3A_87 : vector<16xi32>
    %swap3A_89 = arith.constant 64 : index
    %swap3A_90 = tpu.vector_load %arg8[%swap3A_89] {strides = array<i32>} : memref<128xi32, #tpu.memory_space<vmem>>, vector<16xi32>,
    %swap3A_91 = vector.shape_cast %swap3A_90 : vector<16xi32> to vector<16xi32>
    %swap3A_92 = vector.shape_cast %add3A_88 : vector<16xi32> to vector<16xi32>
    tpu.vector_store %arg8[%swap3A_89], %swap3A_92 {strides = array<i32>} : memref<128xi32, #tpu.memory_space<vmem>>, vector<16xi32>,
    %get3A_93 = arith.constant 80 : index
    %get3A_94 = tpu.vector_load %arg6[%get3A_93] {strides = array<i32>} : memref<128xi32, #tpu.memory_space<vmem>>, vector<16xi32>,
    %get3A_95 = vector.shape_cast %get3A_94 : vector<16xi32> to vector<16xi32>
    %mul3A_96 = arith.constant 1000 : i32
    %mul3A_97 = vector.broadcast %mul3A_96 : i32 to vector<16xi32>
    %mul3A_98 = arith.muli %get3A_95, %mul3A_97 : vector<16xi32>
    %get3A_99 = arith.constant 80 : index
    %get3A_100 = tpu.vector_load %arg7[%get3A_99] {strides = array<i32>} : memref<128xi32, #tpu.memory_space<vmem>>, vector<16xi32>,
    %get3A_101 = vector.shape_cast %get3A_100 : vector<16xi32> to vector<16xi32>
    %add3A_102 = arith.addi %mul3A_98, %get3A_101 : vector<16xi32>
    %swap3A_103 = arith.constant 80 : index
    %swap3A_104 = tpu.vector_load %arg8[%swap3A_103] {strides = array<i32>} : memref<128xi32, #tpu.memory_space<vmem>>, vector<16xi32>,
    %swap3A_105 = vector.shape_cast %swap3A_104 : vector<16xi32> to vector<16xi32>
    %swap3A_106 = vector.shape_cast %add3A_102 : vector<16xi32> to vector<16xi32>
    tpu.vector_store %arg8[%swap3A_103], %swap3A_106 {strides = array<i32>} : memref<128xi32, #tpu.memory_space<vmem>>, vector<16xi32>,
    %dma_start3A_107 = arith.constant 64 : i32
    %dma_start3A_108 = arith.constant 0 : i32
    %dma_start3A_109 = tpu.memref_slice %arg9[%dma_start3A_107, %dma_start3A_108] : memref<128x128xf32, #tpu.memory_space<vmem>> -> memref<32x128xf32, #tpu.memory_space<vmem>>
    %dma_start3A_110 = arith.constant 64 : i32
    %dma_start3A_111 = tpu.memref_slice %arg8[%dma_start3A_110] : memref<128xi32, #tpu.memory_space<vmem>> -> memref<32xi32, #tpu.memory_space<vmem>>
    %dma_start3A_112 = arith.constant 0 : i32
    %dma_start3A_113 = arith.constant 0 : i32
    %dma_start3A_114 = tpu.memref_slice %arg2[%dma_start3A_112, %dma_start3A_113] : memref<4000x128xf32, #tpu.memory_space<hbm>> -> memref<4000x128xf32, #tpu.memory_space<hbm>>
    tpu.enqueue_indirect_dma source(%dma_start3A_114 : memref<4000x128xf32, #tpu.memory_space<hbm>>) target(%dma_start3A_109 : memref<32x128xf32, #tpu.memory_space<vmem>>) offsets(%dma_start3A_111 : memref<32xi32, #tpu.memory_space<vmem>>) semaphore(%arg14 : memref<!tpu.dma_semaphore, #tpu.memory_space<semaphore_mem>>)
    %get3A_115 = arith.constant 96 : index
    %get3A_116 = tpu.vector_load %arg6[%get3A_115] {strides = array<i32>} : memref<128xi32, #tpu.memory_space<vmem>>, vector<16xi32>,
    %get3A_117 = vector.shape_cast %get3A_116 : vector<16xi32> to vector<16xi32>
    %mul3A_118 = arith.constant 1000 : i32
    %mul3A_119 = vector.broadcast %mul3A_118 : i32 to vector<16xi32>
    %mul3A_120 = arith.muli %get3A_117, %mul3A_119 : vector<16xi32>
    %get3A_121 = arith.constant 96 : index
    %get3A_122 = tpu.vector_load %arg7[%get3A_121] {strides = array<i32>} : memref<128xi32, #tpu.memory_space<vmem>>, vector<16xi32>,
    %get3A_123 = vector.shape_cast %get3A_122 : vector<16xi32> to vector<16xi32>
    %add3A_124 = arith.addi %mul3A_120, %get3A_123 : vector<16xi32>
    %swap3A_125 = arith.constant 96 : index
    %swap3A_126 = tpu.vector_load %arg8[%swap3A_125] {strides = array<i32>} : memref<128xi32, #tpu.memory_space<vmem>>, vector<16xi32>,
    %swap3A_127 = vector.shape_cast %swap3A_126 : vector<16xi32> to vector<16xi32>
    %swap3A_128 = vector.shape_cast %add3A_124 : vector<16xi32> to vector<16xi32>
    tpu.vector_store %arg8[%swap3A_125], %swap3A_128 {strides = array<i32>} : memref<128xi32, #tpu.memory_space<vmem>>, vector<16xi32>,
    %get3A_129 = arith.constant 112 : index
    %get3A_130 = tpu.vector_load %arg6[%get3A_129] {strides = array<i32>} : memref<128xi32, #tpu.memory_space<vmem>>, vector<16xi32>,
    %get3A_131 = vector.shape_cast %get3A_130 : vector<16xi32> to vector<16xi32>
    %mul3A_132 = arith.constant 1000 : i32
    %mul3A_133 = vector.broadcast %mul3A_132 : i32 to vector<16xi32>
    %mul3A_134 = arith.muli %get3A_131, %mul3A_133 : vector<16xi32>
    %get3A_135 = arith.constant 112 : index
    %get3A_136 = tpu.vector_load %arg7[%get3A_135] {strides = array<i32>} : memref<128xi32, #tpu.memory_space<vmem>>, vector<16xi32>,
    %get3A_137 = vector.shape_cast %get3A_136 : vector<16xi32> to vector<16xi32>
    %add3A_138 = arith.addi %mul3A_134, %get3A_137 : vector<16xi32>
    %swap3A_139 = arith.constant 112 : index
    %swap3A_140 = tpu.vector_load %arg8[%swap3A_139] {strides = array<i32>} : memref<128xi32, #tpu.memory_space<vmem>>, vector<16xi32>,
    %swap3A_141 = vector.shape_cast %swap3A_140 : vector<16xi32> to vector<16xi32>
    %swap3A_142 = vector.shape_cast %add3A_138 : vector<16xi32> to vector<16xi32>
    tpu.vector_store %arg8[%swap3A_139], %swap3A_142 {strides = array<i32>} : memref<128xi32, #tpu.memory_space<vmem>>, vector<16xi32>,
    %dma_start3A_143 = arith.constant 96 : i32
    %dma_start3A_144 = arith.constant 0 : i32
    %dma_start3A_145 = tpu.memref_slice %arg9[%dma_start3A_143, %dma_start3A_144] : memref<128x128xf32, #tpu.memory_space<vmem>> -> memref<32x128xf32, #tpu.memory_space<vmem>>
    %dma_start3A_146 = arith.constant 96 : i32
    %dma_start3A_147 = tpu.memref_slice %arg8[%dma_start3A_146] : memref<128xi32, #tpu.memory_space<vmem>> -> memref<32xi32, #tpu.memory_space<vmem>>
    %dma_start3A_148 = arith.constant 0 : i32
    %dma_start3A_149 = arith.constant 0 : i32
    %dma_start3A_150 = tpu.memref_slice %arg2[%dma_start3A_148, %dma_start3A_149] : memref<4000x128xf32, #tpu.memory_space<hbm>> -> memref<4000x128xf32, #tpu.memory_space<hbm>>
    tpu.enqueue_indirect_dma source(%dma_start3A_150 : memref<4000x128xf32, #tpu.memory_space<hbm>>) target(%dma_start3A_145 : memref<32x128xf32, #tpu.memory_space<vmem>>) offsets(%dma_start3A_147 : memref<32xi32, #tpu.memory_space<vmem>>) semaphore(%arg15 : memref<!tpu.dma_semaphore, #tpu.memory_space<semaphore_mem>>)
    %dma_wait3A_151 = arith.constant 0 : i32
    %dma_wait3A_152 = arith.constant 0 : i32
    %dma_wait3A_153 = tpu.memref_slice %arg9[%dma_wait3A_151, %dma_wait3A_152] : memref<128x128xf32, #tpu.memory_space<vmem>> -> memref<32x128xf32, #tpu.memory_space<vmem>>
    %dma_wait3A_154 = arith.constant 0 : i32
    %dma_wait3A_155 = tpu.memref_slice %arg8[%dma_wait3A_154] : memref<128xi32, #tpu.memory_space<vmem>> -> memref<32xi32, #tpu.memory_space<vmem>>
    %dma_wait3A_156 = arith.constant 0 : i32
    %dma_wait3A_157 = arith.constant 0 : i32
    %dma_wait3A_158 = tpu.memref_slice %arg2[%dma_wait3A_156, %dma_wait3A_157] : memref<4000x128xf32, #tpu.memory_space<hbm>> -> memref<4000x128xf32, #tpu.memory_space<hbm>>
    tpu.wait_indirect_dma semaphore(%arg12 : memref<!tpu.dma_semaphore, #tpu.memory_space<semaphore_mem>>) src(%dma_wait3A_158 : memref<4000x128xf32, #tpu.memory_space<hbm>>) dst(%dma_wait3A_153 : memref<32x128xf32, #tpu.memory_space<vmem>>)
    %add3A_159 = arith.constant 0 : i32
    %add3A_160 = arith.addi %mul3A_2, %add3A_159 : i32
    %dma_start3A_161 = arith.constant 0 : i32
    %dma_start3A_162 = arith.constant 0 : i32
    %dma_start3A_163 = tpu.memref_slice %arg9[%dma_start3A_161, %dma_start3A_162] : memref<128x128xf32, #tpu.memory_space<vmem>> -> memref<32x128xf32, #tpu.memory_space<vmem>>
    %dma_start3A_164 = arith.constant 0 : i32
    %dma_start3A_165 = tpu.memref_slice %arg5[%add3A_160, %dma_start3A_164] : memref<4096x128xf32, #tpu.memory_space<hbm>> -> memref<32x128xf32, #tpu.memory_space<hbm>>
    %dma_start3A_166 = arith.constant 0 : i32
    %dma_start3A_167 = tpu.memref_slice %arg5[%add3A_160, %dma_start3A_166] : memref<4096x128xf32, #tpu.memory_space<hbm>> -> memref<32x128xf32, #tpu.memory_space<hbm>>
    %dma_start3A_168 = arith.constant 0 : i32
    %dma_start3A_169 = arith.constant 0 : i32
    %dma_start3A_170 = tpu.memref_slice %arg9[%dma_start3A_168, %dma_start3A_169] : memref<128x128xf32, #tpu.memory_space<vmem>> -> memref<32x128xf32, #tpu.memory_space<vmem>>
    tpu.enqueue_dma source(%dma_start3A_170 : memref<32x128xf32, #tpu.memory_space<vmem>>) target(%dma_start3A_167 : memref<32x128xf32, #tpu.memory_space<hbm>>) target_semaphore(%arg16 : memref<!tpu.dma_semaphore, #tpu.memory_space<semaphore_mem>>)
    %dma_wait3A_171 = arith.constant 32 : i32
    %dma_wait3A_172 = arith.constant 0 : i32
    %dma_wait3A_173 = tpu.memref_slice %arg9[%dma_wait3A_171, %dma_wait3A_172] : memref<128x128xf32, #tpu.memory_space<vmem>> -> memref<32x128xf32, #tpu.memory_space<vmem>>
    %dma_wait3A_174 = arith.constant 32 : i32
    %dma_wait3A_175 = tpu.memref_slice %arg8[%dma_wait3A_174] : memref<128xi32, #tpu.memory_space<vmem>> -> memref<32xi32, #tpu.memory_space<vmem>>
    %dma_wait3A_176 = arith.constant 0 : i32
    %dma_wait3A_177 = arith.constant 0 : i32
    %dma_wait3A_178 = tpu.memref_slice %arg2[%dma_wait3A_176, %dma_wait3A_177] : memref<4000x128xf32, #tpu.memory_space<hbm>> -> memref<4000x128xf32, #tpu.memory_space<hbm>>
    tpu.wait_indirect_dma semaphore(%arg13 : memref<!tpu.dma_semaphore, #tpu.memory_space<semaphore_mem>>) src(%dma_wait3A_178 : memref<4000x128xf32, #tpu.memory_space<hbm>>) dst(%dma_wait3A_173 : memref<32x128xf32, #tpu.memory_space<vmem>>)
    %add3A_179 = arith.constant 32 : i32
    %add3A_180 = arith.addi %mul3A_2, %add3A_179 : i32
    %dma_start3A_181 = arith.constant 32 : i32
    %dma_start3A_182 = arith.constant 0 : i32
    %dma_start3A_183 = tpu.memref_slice %arg9[%dma_start3A_181, %dma_start3A_182] : memref<128x128xf32, #tpu.memory_space<vmem>> -> memref<32x128xf32, #tpu.memory_space<vmem>>
    %dma_start3A_184 = arith.constant 0 : i32
    %dma_start3A_185 = tpu.memref_slice %arg5[%add3A_180, %dma_start3A_184] : memref<4096x128xf32, #tpu.memory_space<hbm>> -> memref<32x128xf32, #tpu.memory_space<hbm>>
    %dma_start3A_186 = arith.constant 0 : i32
    %dma_start3A_187 = tpu.memref_slice %arg5[%add3A_180, %dma_start3A_186] : memref<4096x128xf32, #tpu.memory_space<hbm>> -> memref<32x128xf32, #tpu.memory_space<hbm>>
    %dma_start3A_188 = arith.constant 32 : i32
    %dma_start3A_189 = arith.constant 0 : i32
    %dma_start3A_190 = tpu.memref_slice %arg9[%dma_start3A_188, %dma_start3A_189] : memref<128x128xf32, #tpu.memory_space<vmem>> -> memref<32x128xf32, #tpu.memory_space<vmem>>
    tpu.enqueue_dma source(%dma_start3A_190 : memref<32x128xf32, #tpu.memory_space<vmem>>) target(%dma_start3A_187 : memref<32x128xf32, #tpu.memory_space<hbm>>) target_semaphore(%arg17 : memref<!tpu.dma_semaphore, #tpu.memory_space<semaphore_mem>>)
    %dma_wait3A_191 = arith.constant 64 : i32
    %dma_wait3A_192 = arith.constant 0 : i32
    %dma_wait3A_193 = tpu.memref_slice %arg9[%dma_wait3A_191, %dma_wait3A_192] : memref<128x128xf32, #tpu.memory_space<vmem>> -> memref<32x128xf32, #tpu.memory_space<vmem>>
    %dma_wait3A_194 = arith.constant 64 : i32
    %dma_wait3A_195 = tpu.memref_slice %arg8[%dma_wait3A_194] : memref<128xi32, #tpu.memory_space<vmem>> -> memref<32xi32, #tpu.memory_space<vmem>>
    %dma_wait3A_196 = arith.constant 0 : i32
    %dma_wait3A_197 = arith.constant 0 : i32
    %dma_wait3A_198 = tpu.memref_slice %arg2[%dma_wait3A_196, %dma_wait3A_197] : memref<4000x128xf32, #tpu.memory_space<hbm>> -> memref<4000x128xf32, #tpu.memory_space<hbm>>
    tpu.wait_indirect_dma semaphore(%arg14 : memref<!tpu.dma_semaphore, #tpu.memory_space<semaphore_mem>>) src(%dma_wait3A_198 : memref<4000x128xf32, #tpu.memory_space<hbm>>) dst(%dma_wait3A_193 : memref<32x128xf32, #tpu.memory_space<vmem>>)
    %add3A_199 = arith.constant 64 : i32
    %add3A_200 = arith.addi %mul3A_2, %add3A_199 : i32
    %dma_start3A_201 = arith.constant 64 : i32
    %dma_start3A_202 = arith.constant 0 : i32
    %dma_start3A_203 = tpu.memref_slice %arg9[%dma_start3A_201, %dma_start3A_202] : memref<128x128xf32, #tpu.memory_space<vmem>> -> memref<32x128xf32, #tpu.memory_space<vmem>>
    %dma_start3A_204 = arith.constant 0 : i32
    %dma_start3A_205 = tpu.memref_slice %arg5[%add3A_200, %dma_start3A_204] : memref<4096x128xf32, #tpu.memory_space<hbm>> -> memref<32x128xf32, #tpu.memory_space<hbm>>
    %dma_start3A_206 = arith.constant 0 : i32
    %dma_start3A_207 = tpu.memref_slice %arg5[%add3A_200, %dma_start3A_206] : memref<4096x128xf32, #tpu.memory_space<hbm>> -> memref<32x128xf32, #tpu.memory_space<hbm>>
    %dma_start3A_208 = arith.constant 64 : i32
    %dma_start3A_209 = arith.constant 0 : i32
    %dma_start3A_210 = tpu.memref_slice %arg9[%dma_start3A_208, %dma_start3A_209] : memref<128x128xf32, #tpu.memory_space<vmem>> -> memref<32x128xf32, #tpu.memory_space<vmem>>
    tpu.enqueue_dma source(%dma_start3A_210 : memref<32x128xf32, #tpu.memory_space<vmem>>) target(%dma_start3A_207 : memref<32x128xf32, #tpu.memory_space<hbm>>) target_semaphore(%arg18 : memref<!tpu.dma_semaphore, #tpu.memory_space<semaphore_mem>>)
    %dma_wait3A_211 = arith.constant 96 : i32
    %dma_wait3A_212 = arith.constant 0 : i32
    %dma_wait3A_213 = tpu.memref_slice %arg9[%dma_wait3A_211, %dma_wait3A_212] : memref<128x128xf32, #tpu.memory_space<vmem>> -> memref<32x128xf32, #tpu.memory_space<vmem>>
    %dma_wait3A_214 = arith.constant 96 : i32
    %dma_wait3A_215 = tpu.memref_slice %arg8[%dma_wait3A_214] : memref<128xi32, #tpu.memory_space<vmem>> -> memref<32xi32, #tpu.memory_space<vmem>>
    %dma_wait3A_216 = arith.constant 0 : i32
    %dma_wait3A_217 = arith.constant 0 : i32
    %dma_wait3A_218 = tpu.memref_slice %arg2[%dma_wait3A_216, %dma_wait3A_217] : memref<4000x128xf32, #tpu.memory_space<hbm>> -> memref<4000x128xf32, #tpu.memory_space<hbm>>
    tpu.wait_indirect_dma semaphore(%arg15 : memref<!tpu.dma_semaphore, #tpu.memory_space<semaphore_mem>>) src(%dma_wait3A_218 : memref<4000x128xf32, #tpu.memory_space<hbm>>) dst(%dma_wait3A_213 : memref<32x128xf32, #tpu.memory_space<vmem>>)
    %add3A_219 = arith.constant 96 : i32
    %add3A_220 = arith.addi %mul3A_2, %add3A_219 : i32
    %dma_start3A_221 = arith.constant 96 : i32
    %dma_start3A_222 = arith.constant 0 : i32
    %dma_start3A_223 = tpu.memref_slice %arg9[%dma_start3A_221, %dma_start3A_222] : memref<128x128xf32, #tpu.memory_space<vmem>> -> memref<32x128xf32, #tpu.memory_space<vmem>>
    %dma_start3A_224 = arith.constant 0 : i32
    %dma_start3A_225 = tpu.memref_slice %arg5[%add3A_220, %dma_start3A_224] : memref<4096x128xf32, #tpu.memory_space<hbm>> -> memref<32x128xf32, #tpu.memory_space<hbm>>
    %dma_start3A_226 = arith.constant 0 : i32
    %dma_start3A_227 = tpu.memref_slice %arg5[%add3A_220, %dma_start3A_226] : memref<4096x128xf32, #tpu.memory_space<hbm>> -> memref<32x128xf32, #tpu.memory_space<hbm>>
    %dma_start3A_228 = arith.constant 96 : i32
    %dma_start3A_229 = arith.constant 0 : i32
    %dma_start3A_230 = tpu.memref_slice %arg9[%dma_start3A_228, %dma_start3A_229] : memref<128x128xf32, #tpu.memory_space<vmem>> -> memref<32x128xf32, #tpu.memory_space<vmem>>
    tpu.enqueue_dma source(%dma_start3A_230 : memref<32x128xf32, #tpu.memory_space<vmem>>) target(%dma_start3A_227 : memref<32x128xf32, #tpu.memory_space<hbm>>) target_semaphore(%arg19 : memref<!tpu.dma_semaphore, #tpu.memory_space<semaphore_mem>>)
    %dma_wait3A_231 = arith.constant 0 : i32
    %dma_wait3A_232 = arith.constant 0 : i32
    %dma_wait3A_233 = tpu.memref_slice %arg9[%dma_wait3A_231, %dma_wait3A_232] : memref<128x128xf32, #tpu.memory_space<vmem>> -> memref<32x128xf32, #tpu.memory_space<vmem>>
    %dma_wait3A_234 = arith.constant 0 : i32
    %dma_wait3A_235 = tpu.memref_slice %arg5[%add3A_160, %dma_wait3A_234] : memref<4096x128xf32, #tpu.memory_space<hbm>> -> memref<32x128xf32, #tpu.memory_space<hbm>>
    %dma_wait3A_236 = arith.constant 0 : i32
    %dma_wait3A_237 = tpu.memref_slice %arg5[%add3A_160, %dma_wait3A_236] : memref<4096x128xf32, #tpu.memory_space<hbm>> -> memref<32x128xf32, #tpu.memory_space<hbm>>
    %dma_wait3A_238 = arith.constant 0 : i32
    %dma_wait3A_239 = arith.constant 0 : i32
    %dma_wait3A_240 = tpu.memref_slice %arg9[%dma_wait3A_238, %dma_wait3A_239] : memref<128x128xf32, #tpu.memory_space<vmem>> -> memref<32x128xf32, #tpu.memory_space<vmem>>
    tpu.wait_dma2 semaphore(%arg16 : memref<!tpu.dma_semaphore, #tpu.memory_space<semaphore_mem>>) src(%dma_wait3A_240 : memref<32x128xf32, #tpu.memory_space<vmem>>) dst(%dma_wait3A_237 : memref<32x128xf32, #tpu.memory_space<hbm>>)
    %dma_wait3A_241 = arith.constant 32 : i32
    %dma_wait3A_242 = arith.constant 0 : i32
    %dma_wait3A_243 = tpu.memref_slice %arg9[%dma_wait3A_241, %dma_wait3A_242] : memref<128x128xf32, #tpu.memory_space<vmem>> -> memref<32x128xf32, #tpu.memory_space<vmem>>
    %dma_wait3A_244 = arith.constant 0 : i32
    %dma_wait3A_245 = tpu.memref_slice %arg5[%add3A_180, %dma_wait3A_244] : memref<4096x128xf32, #tpu.memory_space<hbm>> -> memref<32x128xf32, #tpu.memory_space<hbm>>
    %dma_wait3A_246 = arith.constant 0 : i32
    %dma_wait3A_247 = tpu.memref_slice %arg5[%add3A_180, %dma_wait3A_246] : memref<4096x128xf32, #tpu.memory_space<hbm>> -> memref<32x128xf32, #tpu.memory_space<hbm>>
    %dma_wait3A_248 = arith.constant 32 : i32
    %dma_wait3A_249 = arith.constant 0 : i32
    %dma_wait3A_250 = tpu.memref_slice %arg9[%dma_wait3A_248, %dma_wait3A_249] : memref<128x128xf32, #tpu.memory_space<vmem>> -> memref<32x128xf32, #tpu.memory_space<vmem>>
    tpu.wait_dma2 semaphore(%arg17 : memref<!tpu.dma_semaphore, #tpu.memory_space<semaphore_mem>>) src(%dma_wait3A_250 : memref<32x128xf32, #tpu.memory_space<vmem>>) dst(%dma_wait3A_247 : memref<32x128xf32, #tpu.memory_space<hbm>>)
    %dma_wait3A_251 = arith.constant 64 : i32
    %dma_wait3A_252 = arith.constant 0 : i32
    %dma_wait3A_253 = tpu.memref_slice %arg9[%dma_wait3A_251, %dma_wait3A_252] : memref<128x128xf32, #tpu.memory_space<vmem>> -> memref<32x128xf32, #tpu.memory_space<vmem>>
    %dma_wait3A_254 = arith.constant 0 : i32
    %dma_wait3A_255 = tpu.memref_slice %arg5[%add3A_200, %dma_wait3A_254] : memref<4096x128xf32, #tpu.memory_space<hbm>> -> memref<32x128xf32, #tpu.memory_space<hbm>>
    %dma_wait3A_256 = arith.constant 0 : i32
    %dma_wait3A_257 = tpu.memref_slice %arg5[%add3A_200, %dma_wait3A_256] : memref<4096x128xf32, #tpu.memory_space<hbm>> -> memref<32x128xf32, #tpu.memory_space<hbm>>
    %dma_wait3A_258 = arith.constant 64 : i32
    %dma_wait3A_259 = arith.constant 0 : i32
    %dma_wait3A_260 = tpu.memref_slice %arg9[%dma_wait3A_258, %dma_wait3A_259] : memref<128x128xf32, #tpu.memory_space<vmem>> -> memref<32x128xf32, #tpu.memory_space<vmem>>
    tpu.wait_dma2 semaphore(%arg18 : memref<!tpu.dma_semaphore, #tpu.memory_space<semaphore_mem>>) src(%dma_wait3A_260 : memref<32x128xf32, #tpu.memory_space<vmem>>) dst(%dma_wait3A_257 : memref<32x128xf32, #tpu.memory_space<hbm>>)
    %dma_wait3A_261 = arith.constant 96 : i32
    %dma_wait3A_262 = arith.constant 0 : i32
    %dma_wait3A_263 = tpu.memref_slice %arg9[%dma_wait3A_261, %dma_wait3A_262] : memref<128x128xf32, #tpu.memory_space<vmem>> -> memref<32x128xf32, #tpu.memory_space<vmem>>
    %dma_wait3A_264 = arith.constant 0 : i32
    %dma_wait3A_265 = tpu.memref_slice %arg5[%add3A_220, %dma_wait3A_264] : memref<4096x128xf32, #tpu.memory_space<hbm>> -> memref<32x128xf32, #tpu.memory_space<hbm>>
    %dma_wait3A_266 = arith.constant 0 : i32
    %dma_wait3A_267 = tpu.memref_slice %arg5[%add3A_220, %dma_wait3A_266] : memref<4096x128xf32, #tpu.memory_space<hbm>> -> memref<32x128xf32, #tpu.memory_space<hbm>>
    %dma_wait3A_268 = arith.constant 96 : i32
    %dma_wait3A_269 = arith.constant 0 : i32
    %dma_wait3A_270 = tpu.memref_slice %arg9[%dma_wait3A_268, %dma_wait3A_269] : memref<128x128xf32, #tpu.memory_space<vmem>> -> memref<32x128xf32, #tpu.memory_space<vmem>>
    tpu.wait_dma2 semaphore(%arg19 : memref<!tpu.dma_semaphore, #tpu.memory_space<semaphore_mem>>) src(%dma_wait3A_270 : memref<32x128xf32, #tpu.memory_space<vmem>>) dst(%dma_wait3A_267 : memref<32x128xf32, #tpu.memory_space<hbm>>)
    return
  }
}

</mosaic_0001>

<sc_bundles>
// kernel: kernel.3.cloned.1.call-start
scs
__scs_entry_jumppad:
0x0: {  	(pc) =	sbr.rel $0x88, $3  }
0x1: {  	(tag) =	ssettag $0x0;
	lr =	simm.s32 $0x1  }
0x2: {  	[smem:$0x3F9E] =	sst lr;
	_ =	strace $0xD0000000  }
0x3: {  	_ = 	snop  }
0x4: {  	_ = 	snop  }
0x5: {  	_ = 	snop  }
0x6: {  	_ = 	snop  }
0x7: {  	_ = 	snop  }
__scs_overlays_trampoline_lowered:
0x8: {  	[smem:$0x3FAD] =	sst s0  }
0x9: {  	[smem:$0x3FAE] =	sst s1  }
0xa: {  	[smem:$0x3FAF] =	sst s2  }
0xb: {  	[smem:$0x3FB0] =	sst s3  }
0xc: {  	[smem:$0x3FB1] =	sst s4  }
0xd: {  	[smem:$0x3FB2] =	sst s5  }
0xe: {  	[smem:$0x3FB3] =	sst s6  }
0xf: {  	[smem:$0x3FB4] =	sst s7  }
0x10: {  	[smem:$0x3FB5] =	sst s8  }
0x11: {  	[smem:$0x3FB6] =	sst s9;
	s0 =	simm.s32 @!p0 $0x0  }
0x12: {  	s1 =	sld [smem:$0x3F9C];
	s0 =	simm.s32 @p0 $0x1  }
0x13: {  	[smem:$0x3FB7] =	sst s0;
	s0 =	simm.s32 @!p1 $0x0  }
0x14: {  	s2 =	sld [smem:$0x3F9B];
	s0 =	simm.s32 @p1 $0x1  }
0x15: {  	[smem:$0x3FB8] =	sst s0;
	s0 =	simm.s32 @!p2 $0x0  }
0x16: {  	s3 =	sld [smem:$0x3FDB];
	s0 =	simm.s32 @p2 $0x1  }
0x17: {  	s4 =	simm.s32 $0x1BF5;
	[smem:$0x3FBA] =	sst s0  }
0x18: {  	s0 =	sld [smem:$0x3F9D];
	_ =	swait.ge [sflag:s4], $0x0  }
0x19: {  	s7 =	sld [smem:$0x3F9E]  }
0x1a: {  	s8 =	sadd.s32 $0xFFFFE003, lr  }
0x1b: {  	s9 =	sadd.s32 $0xFFFFFEF7, lr;
	s5 =	simm.s32 $0xFFFFFFFF;
	p2 =	slt.u32 s8, $0xFFFFF086  }
0x1c: {  	p1 =	slt.u32 s9, $0xF7A;
	s5 =	simm.s32 @!p2 $0x0  }
0x1d: {  	s5 =	simm.s32 @p1 $0x1;
	p0 =	seq.s32 s7, s2  }
0x1e: {  	s7 =	smul.u32 @!p0 $0xF7A, s2;
	p2 =	seq.s32 @!p0 s5, $0x0  }
0x1f: {  	s9 =	smul.u32 $0xF7A, s1;
	s8 =	simm.s32 @!p0 $0x1BF5;
	p2 =	por !p2, p0  }
0x20: {  	[sflag:s8] =	ssyncset.s32 @!p0 $0xFFFFF086;
	s6 =	sadd.s32 @!p0 s3, s7;
	s7 =	simm.s32 @!p0 $0x108  }
0x21: {  	s3 =	sadd.s32 s3, s9;
	s6 =	sadd.s32 @!p0 $0x88, s6;
	s7 =	simm.s32 @p2 $0x1082  }
0x22: {  	[simem:s7], [sflag:s8] =	dma.local @!p0 [hbm:s6], $0xF7A  }
0x23: {  	s9 =	sor.u32 $0xD0000000, s2;
	s6 =	simm.s32 $0x108;
	_ =	swait.ge @!p0 [sflag:s8], $0x0  }
0x24: {  	s3 =	sadd.s32 $0x88, s3;
	s6 =	simm.s32 @!p1 $0x1082;
	[sflag:s4] =	ssyncset.s32 $0xFFFFF086  }
0x25: {  	[simem:s6], [sflag:s4] =	dma.local [hbm:s3], $0xF7A  }
0x26: {  	[smem:$0x3F9E] =	sst s1;
	(tag) =	ssettag s2;
	_ =	strace s9  }
0x27: {  	s1 =	sld [smem:$0x3FAE]  }
0x28: {  	s2 =	sld [smem:$0x3FAF]  }
0x29: {  	s4 =	sld [smem:$0x3FB1]  }
0x2a: {  	p0 =	seq.s32 s5, $0x0;
	s5 =	sld [smem:$0x3FB2]  }
0x2b: {  	s6 =	sld [smem:$0x3FB3]  }
0x2c: {  	s7 =	sld [smem:$0x3FB4]  }
0x2d: {  	s3 =	simm.s32 $0x108;
	s8 =	sld [smem:$0x3FB5]  }
0x2e: {  	s3 =	simm.s32 @!p0 $0x1082;
	s9 =	sld [smem:$0x3FB6]  }
0x2f: {  	lr =	sadd.s32 s0, s3;
	s0 =	sld [smem:$0x3FAD]  }
0x30: {  	s3 =	sld [smem:$0x3FB0]  }
0x31: {  	[smem:$0x3FB9] =	sst s10  }
0x32: {  	s10 =	sld [smem:$0x3FB7];
	_ =	sdelay $0x3  }
0x33: {  	p0 =	seq.s32 s10, $0x1;
	s10 =	sld [smem:$0x3FB9];
	_ =	sdelay $0x3  }
0x34: {  	[smem:$0x3FB9] =	sst s10  }
0x35: {  	s10 =	sld [smem:$0x3FB8];
	_ =	sdelay $0x3  }
0x36: {  	p1 =	seq.s32 s10, $0x1;
	s10 =	sld [smem:$0x3FB9];
	_ =	sdelay $0x3  }
0x37: {  	[smem:$0x3FB9] =	sst s10  }
0x38: {  	s10 =	sld [smem:$0x3FBA]  }
0x39: {  	_ = 	snop;
	(pc) =	sbr.ind lr, $3  }
0x3a: {  	_ = 	snop  }
0x3b: {  	_ = 	snop  }
0x3c: {  	p2 =	seq.s32 s10, $0x1;
	s10 =	sld [smem:$0x3FB9]  }
0x3d: {  	_ =	shalt  }
0x3e: {  	_ =	shalt  }
0x3f: {  	_ =	shalt  }
0x40: {  	_ =	shalt  }
0x41: {  	_ =	shalt  }
0x42: {  	_ =	shalt  }
0x43: {  	_ =	shalt  }
0x44: {  	_ =	shalt  }
0x45: {  	_ =	shalt  }
0x46: {  	_ =	shalt  }
0x47: {  	_ =	shalt  }
0x48: {  	_ =	shalt  }
0x49: {  	_ =	shalt  }
0x4a: {  	_ =	shalt  }
0x4b: {  	_ =	shalt  }
0x4c: {  	_ =	shalt  }
0x4d: {  	_ =	shalt  }
0x4e: {  	_ =	shalt  }
0x4f: {  	_ =	shalt  }
0x50: {  	_ =	shalt  }
0x51: {  	_ =	shalt  }
0x52: {  	_ =	shalt  }
0x53: {  	_ =	shalt  }
0x54: {  	_ =	shalt  }
0x55: {  	_ =	shalt  }
0x56: {  	_ =	shalt  }
0x57: {  	_ =	shalt  }
0x58: {  	_ =	shalt  }
0x59: {  	_ =	shalt  }
0x5a: {  	_ =	shalt  }
0x5b: {  	_ =	shalt  }
0x5c: {  	_ =	shalt  }
0x5d: {  	_ =	shalt  }
0x5e: {  	_ =	shalt  }
0x5f: {  	_ =	shalt  }
0x60: {  	_ =	shalt  }
0x61: {  	_ =	shalt  }
0x62: {  	_ =	shalt  }
0x63: {  	_ =	shalt  }
0x64: {  	_ =	shalt  }
0x65: {  	_ =	shalt  }
0x66: {  	_ =	shalt  }
0x67: {  	_ =	shalt  }
0x68: {  	_ =	shalt  }
0x69: {  	_ =	shalt  }
0x6a: {  	_ =	shalt  }
0x6b: {  	_ =	shalt  }
0x6c: {  	_ =	shalt  }
0x6d: {  	_ =	shalt  }
0x6e: {  	_ =	shalt  }
0x6f: {  	_ =	shalt  }
0x70: {  	_ =	shalt  }
0x71: {  	_ =	shalt  }
0x72: {  	_ =	shalt  }
0x73: {  	_ =	shalt  }
0x74: {  	_ =	shalt  }
0x75: {  	_ =	shalt  }
0x76: {  	_ =	shalt  }
0x77: {  	_ =	shalt  }
0x78: {  	_ =	shalt  }
0x79: {  	_ =	shalt  }
0x7a: {  	_ =	shalt  }
0x7b: {  	_ =	shalt  }
0x7c: {  	_ =	shalt  }
0x7d: {  	_ =	shalt  }
0x7e: {  	_ =	shalt  }
0x7f: {  	_ =	shalt  }
0x80: {  	_ =	shalt  }
0x81: {  	_ =	shalt  }
0x82: {  	_ =	shalt  }
0x83: {  	_ =	shalt  }
0x84: {  	_ =	shalt  }
0x85: {  	_ =	shalt  }
0x86: {  	_ =	shalt  }
0x87: {  	_ =	shalt  }
.Lfunc_end0:
.L_simem_size_0:
called_computation_lowered:
.L_overlay_start_0:
0x88: {  	s2 =	sld [smem:$0x3FD9]  }
0x89: {  	s3 =	sld [smem:$0x3FFE];
	_ =	sdelay $0x1  }
0x8a: {  	s1 =	srdreg.scid  }
0x8b: {  	s0 =	sand.u32 $0x1, s1  }
0x8c: {  	s18 =	sshll.u32 s0, $0xA;
	s2 =	sadd.s32 s3, s2  }
0x8d: {  	s2 =	sadd.s32 s2, s18  }
0x8e: {  	[smem:$0x3FC5] =	sst s2  }
0x8f: {  	_ = 	snop  }
0x90: {  	s2 =	sld [smem:$0x3FC9]  }
0x91: {  	s19 =	sld [smem:$0x3FC8]  }
0x92: {  	s4 =	sld [smem:$0x3FC7]  }
0x93: {  	s5 =	sld [smem:$0x3FD0];
	(tm) =	ssettm $0x1  }
0x94: {  	s6 =	sld [smem:$0x3FFB];
	_ =	sdelay $0x3  }
0x95: {  	_ =	strace s6  }
0x96: {  	s6 =	sld [smem:$0x3FFC];
	_ =	sdelay $0x3  }
0x97: {  	_ =	strace s6  }
0x98: {  	s6 =	sld [smem:$0x3FFD];
	_ =	sdelay $0x3  }
0x99: {  	_ =	strace s6  }
0x9a: {  	_ =	strace $0x8FFFFFFF  }
0x9b: {  	s20 =	sld [smem:$0x3FDB];
	_ =	sdelay $0x1  }
0x9c: {  	s7 =	simm.s32 $_scs_section_size  }
0x9d: {  	s8 =	simm.s32 $_size__tile_overlayer_lowered;
	s9 =	simm.s32 $_tile_overlayer_lowered  }
0x9e: {  	s23 =	simm.s32 $0x1BFF;
	s22 =	sshll.u32 s9, $0x1;
	s6 =	sadd.s32 s7, s20  }
0x9f: {  	s10 =	simm.s32 $0x0;
	s21 =	sshll.u32 s8, $0x1;
	s8 =	sadd.s32 s22, s6  }
0xa0: {  	[timem:s10], [sflag:s23] =	dma.local [hbm:s8], s21  }
0xa1: {  	_ =	swait.ge [sflag:s23], s21  }
0xa2: {  	s7 =	ssub.s32 $0x0, s21;
	[sflag:s23] =	ssyncset.done $0x0  }
0xa3: {  	[sflag:s23] =	ssyncadd.s32 s7;
	_ =	sdelay $0x1  }
0xa4: {  	s24 =	simm.s32 $0x1B8B  }
0xa5: {  	_ =	swait.ge [sflag:s24], $0x1  }
0xa6: {  	[sflag:s24] =	ssyncset.done $0x0  }
0xa7: {  	s25 =	simm.s32 $0x1B8E;
	[sflag:s24] =	ssyncadd.s32 $0xFFFFFFFF  }
0xa8: {  	s26 =	simm.s32 $execute0_lowered;
	[smem:$0x3FD2] =	sst s25  }
0xa9: {  	s7 =	sshll.u32 s26, $0x1;
	_ =	strace $0x80000046;
	[dreg:$0x1] =	wrdreg $0xFFFFFFFF  }
0xaa: {  	s28 =	simm.s32 $_size_execute0_lowered;
	s6 =	sadd.s32 s6, s7;
	[dreg:$0x0] =	wrdreg $0x0  }
0xab: {  	s7 =	sshll.u32 s28, $0x1;
	[dreg:$0x2] =	wrdreg s6  }
0xac: {  	[dreg:$0x3] =	wrdreg s7  }
0xad: {  	[dreg:$0x4] =	wrdreg $0xC0  }
0xae: {  	_ =	task [dreg:s10], $0x5FFFF  }
0xaf: {  	[dreg:$0x1] =	wrdreg $0xFFFFFFFF  }
0xb0: {  	[dreg:$0x0] =	wrdreg $0x60  }
0xb1: {  	[dreg:$0x2] =	wrdreg s2  }
0xb2: {  	[dreg:$0x3] =	wrdreg s19  }
0xb3: {  	[dreg:$0x4] =	wrdreg s4  }
0xb4: {  	[dreg:$0x5] =	wrdreg s5  }
0xb5: {  	[dreg:$0x6] =	wrdreg $0x9  }
0xb6: {  	_ =	task.clear_ibuf [dreg:s10], $0x7FFFF;
	_ =	strace $0x90000046  }
0xb7: {  	s29 =	simm.s32 $0x9;
	_ =	strace $0x80000048  }
0xb8: {  	_ =	swait.ge [sflag:s29], $0x1  }
0xb9: {  	[sflag:s29] =	ssyncadd.s32 $0xFFFFFFFF  }
0xba: {  	_ =	strace $0x90000048  }
0xbb: {  	_ =	sfence  }
0xbc: {  	s30 =	sld [smem:$0x0];
	_ =	sdelay $0x2  }
0xbd: {  	s31 =	sshll.u32 s1, $0xD;
	s1 =	sshrl.u32 s1, $0x2  }
0xbe: {  	s3 =	sand.u32 $0x4000, s31;
	s1 =	sadd.s32 s1, s30  }
0xbf: {  	s0 =	sor.u32 s3, s0;
	s1 =	sshll.u32 s1, $0x11  }
0xc0: {  	s0 =	sor.u32 s1, s0  }
0xc1: {  	s0 =	sadd.s32 $0x8F2B, s0  }
0xc2: {  	[sflag:s0] =	ssyncadd.remote.s32 $0x1  }
0xc3: {  	_ =	sfence.sel $0xFFFF  }
0xc4: {  	[dreg:$0x0] =	wrdreg $0xFFFFFFFF;
	(pc) =	sbr.abs _section_cstart, $3  }
0xc5: {  	[dreg:$0x1] =	wrdreg $0xFFFFFFFF  }
0xc6: {  	_ =	task.clear_ibuf [dreg:s10], $0x2FFFF;
	_ =	strace $0x9FFFFFFF  }
0xc7: {  	(tm) =	ssettm $0x7FFFFFFF  }
tec
execute0_lowered:
.L_overlay_start_1:
0x0: {  	(tag) =	ssettag $0x1  }
0x1: {  	s2 =	rddreg [dreg:$0x0];
	s1 =	srdreg.scid  }
0x2: {  	s4 =	rddreg [dreg:$0x1];
	s0 =	stileid.u32;
	s21 =	sand.u32 $0x1, s1  }
0x3: {  	s5 =	rddreg [dreg:$0x2];
	s6 =	sshll.u32 s0, $0x8;
	s7 =	sshll.u32 s21, $0x7  }
0x4: {  	s19 =	rddreg [dreg:$0x3];
	s3 =	simm.s32 $0x0;
	s20 =	sor.u32 s7, s6  }
0x5: {  	[smem:$0x7FF] =	sst s3;
	s6 =	sshrl.u32 s20, $0x3  }
0x6: {  	s1 =	rddreg [dreg:$0x4];
	_ =	strace $0x80000047;
	s4 =	sadd.s32 s4, s6  }
0x7: {  	[tilespmem:s3], [sflag:$0x1] =	stream.linear.gather [hbm4b:s4+s3], $0x80, $0x38;
	[tilespmem:$0x4180] =	vst v63  }
0x8: {  	s7 =	simm.s32 $0x1;
	s5 =	sadd.s32 s5, s6;
	s6 =	simm.s32 $0x80  }
0x9: {  	[tilespmem:s6], [sflag:$0x2] =	stream.linear.gather [hbm4b:s5+s3], $0x80, $0x38;
	[tilespmem:$0x4180] =	vst v63  }
0xa: {  	_ =	swait.ge [sflag:s7], $0x80  }
0xb: {  	[sflag:s7] =	ssyncset.done $0x0  }
0xc: {  	s8 =	simm.s32 $0x2;
	[sflag:s7] =	ssyncadd.s32 $0xFFFFFF80  }
0xd: {  	_ =	swait.ge [sflag:s8], $0x80  }
0xe: {  	[sflag:s8] =	ssyncset.done $0x0  }
0xf: {  	[sflag:s8] =	ssyncadd.s32 $0xFFFFFF80  }
0x10: {  	v0 =	vld [tilespmem:$0x0]  }
0x11: {  	v1 =	vld [tilespmem:$0x10]  }
0x12: {  	v2 =	vld [tilespmem:$0x80]  }
0x13: {  	v3 =	vld [tilespmem:$0x90];
	_ =	sdelay $0x1  }
0x14: {  	v0 =	vmul.u32 $0x3E8, v0  }
0x15: {  	v1 =	vmul.u32 $0x3E8, v1  }
0x16: {  	v0 =	vadd.s32 v2, v0  }
0x17: {  	v48 =	vadd.s32 v3, v1;
	[tilespmem:$0x100] =	vst v0  }
0x18: {  	s9 =	simm.s32 $0x20;
	s10 =	simm.s32 $0x100;
	s11 =	simm.s32 $0x180;
	[tilespmem:$0x110] =	vst v48  }
0x19: {  	[tilespmem:s11], [sflag:$0x3] =	stream.indirect.gather [hbm4b:s2+s9], $0x80, s10, s9, $0xb8;
	[tilespmem:$0x4180] =	vst v63  }
0x1a: {  	v49 =	vld [tilespmem:$0x20]  }
0x1b: {  	v50 =	vld [tilespmem:$0x30]  }
0x1c: {  	v51 =	vld [tilespmem:$0xA0]  }
0x1d: {  	v52 =	vld [tilespmem:$0xB0];
	_ =	sdelay $0x1  }
0x1e: {  	v0 =	vmul.u32 $0x3E8, v49  }
0x1f: {  	v1 =	vmul.u32 $0x3E8, v50  }
0x20: {  	v0 =	vadd.s32 v51, v0  }
0x21: {  	v53 =	vadd.s32 v52, v1;
	[tilespmem:$0x120] =	vst v0  }
0x22: {  	s12 =	simm.s32 $0x120;
	s13 =	simm.s32 $0x1180;
	[tilespmem:$0x130] =	vst v53  }
0x23: {  	[tilespmem:s13], [sflag:$0x4] =	stream.indirect.gather [hbm4b:s2+s9], $0x80, s12, s9, $0xb8;
	[tilespmem:$0x4180] =	vst v63  }
0x24: {  	v54 =	vld [tilespmem:$0x40]  }
0x25: {  	v55 =	vld [tilespmem:$0x50]  }
0x26: {  	v56 =	vld [tilespmem:$0xC0]  }
0x27: {  	v57 =	vld [tilespmem:$0xD0];
	_ =	sdelay $0x1  }
0x28: {  	v0 =	vmul.u32 $0x3E8, v54  }
0x29: {  	v1 =	vmul.u32 $0x3E8, v55  }
0x2a: {  	v0 =	vadd.s32 v56, v0  }
0x2b: {  	v58 =	vadd.s32 v57, v1;
	[tilespmem:$0x140] =	vst v0  }
0x2c: {  	s14 =	simm.s32 $0x140;
	s15 =	simm.s32 $0x2180;
	[tilespmem:$0x150] =	vst v58  }
0x2d: {  	[tilespmem:s15], [sflag:$0x5] =	stream.indirect.gather [hbm4b:s2+s9], $0x80, s14, s9, $0xb8;
	[tilespmem:$0x4180] =	vst v63  }
0x2e: {  	v59 =	vld [tilespmem:$0x60]  }
0x2f: {  	v60 =	vld [tilespmem:$0x70]  }
0x30: {  	v61 =	vld [tilespmem:$0xE0]  }
0x31: {  	v62 =	vld [tilespmem:$0xF0];
	_ =	sdelay $0x1  }
0x32: {  	v0 =	vmul.u32 $0x3E8, v59  }
0x33: {  	v1 =	vmul.u32 $0x3E8, v60  }
0x34: {  	v0 =	vadd.s32 v61, v0  }
0x35: {  	v63 =	vadd.s32 v62, v1;
	[tilespmem:$0x160] =	vst v0  }
0x36: {  	s17 =	simm.s32 $0x160;
	s16 =	simm.s32 $0x3180;
	s18 =	simm.s32 $0x3;
	[tilespmem:$0x170] =	vst v63  }
0x37: {  	[tilespmem:s16], [sflag:$0x6] =	stream.indirect.gather [hbm4b:s2+s9], $0x80, s17, s9, $0xb8;
	[tilespmem:$0x4180] =	vst v63  }
0x38: {  	s23 =	ssub.s32 $0x2, s21;
	_ =	swait.ge [sflag:s18], $0x1000  }
0x39: {  	s24 =	sshrl.u32 s23, $0x1;
	s20 =	sshll.u32 s20, $0x4;
	[sflag:s18] =	ssyncset.done $0x0  }
0x3a: {  	s19 =	sadd.s32 s19, s20;
	s20 =	simm.s32 $0x4;
	[sflag:s18] =	ssyncadd.s32 $0xFFFFF000  }
0x3b: {  	[hbm4b:s19+s3] =	stream.linear.scatter [tilespmem:s11], [sflag:$0x7], $0x1000, $0x38;
	[tilespmem:$0x4180] =	vst v63  }
0x3c: {  	s22 =	simm.s32 $0x5;
	s23 =	ssub.s32 s23, s24;
	_ =	swait.ge [sflag:s20], $0x1000  }
0x3d: {  	s25 =	simm.s32 $0x6;
	s23 =	smax.u32 s23, $0x1;
	[sflag:s20] =	ssyncset.done $0x0  }
0x3e: {  	s21 =	sadd.s32 $0x200, s19;
	p0 =	sne.s32 s23, $0x1;
	[sflag:s20] =	ssyncadd.s32 $0xFFFFF000  }
0x3f: {  	[hbm4b:s21+s3] =	stream.linear.scatter [tilespmem:s13], [sflag:$0x8], $0x1000, $0x38;
	[tilespmem:$0x4180] =	vst v63  }
.Ltmp0:
0x40: {  	s29 =	simm.s32 $0x7;
	_ =	swait.ge [sflag:s22], $0x1000;
	(pc) =	sbr.rel @!p0 .LBB2_2-.Ltmp0, $4  }
0x41: {  	s28 =	simm.s32 $0x8;
	s26 =	simm.s32 $0x9;
	[sflag:s22] =	ssyncset.done $0x0  }
0x42: {  	s24 =	sadd.s32 $0x400, s19;
	s30 =	sadd.s32 $0xFFFFFFFF, s23;
	[sflag:s22] =	ssyncadd.s32 $0xFFFFF000  }
0x43: {  	[hbm4b:s24+s3] =	stream.linear.scatter [tilespmem:s15], [sflag:$0x9], $0x1000, $0x38;
	[tilespmem:$0x4180] =	vst v63  }
0x44: {  	s31 =	sadd.s32 $0x600, s19;
	s23 =	simm.s32 $0xA;
	_ =	swait.ge [sflag:s25], $0x1000  }
.LBB2_1:
0x45: {  	p0 =	sne.s32 s30, $0x1;
	s30 =	sadd.s32 $0xFFFFFFFF, s30;
	[sflag:s25] =	ssyncset.done $0x0  }
0x46: {  	[sflag:s25] =	ssyncadd.s32 $0xFFFFF000  }
0x47: {  	[hbm4b:s31+s3] =	stream.linear.scatter [tilespmem:s16], [sflag:$0xA], $0x1000, $0x38;
	[tilespmem:$0x4180] =	vst v63  }
0x48: {  	_ =	swait.ge [sflag:s29], $0x1000  }
0x49: {  	[sflag:s29] =	ssyncset.done $0x0  }
0x4a: {  	[sflag:s29] =	ssyncadd.s32 $0xFFFFF000  }
0x4b: {  	_ =	swait.ge [sflag:s28], $0x1000  }
0x4c: {  	[sflag:s28] =	ssyncset.done $0x0  }
0x4d: {  	[sflag:s28] =	ssyncadd.s32 $0xFFFFF000  }
0x4e: {  	_ =	swait.ge [sflag:s26], $0x1000  }
0x4f: {  	[sflag:s26] =	ssyncset.done $0x0  }
0x50: {  	[sflag:s26] =	ssyncadd.s32 $0xFFFFF000  }
0x51: {  	_ =	swait.ge [sflag:s23], $0x1000  }
0x52: {  	[sflag:s23] =	ssyncset.done $0x0  }
0x53: {  	[sflag:s23] =	ssyncadd.s32 $0xFFFFF000  }
0x54: {  	[tilespmem:s3], [sflag:$0x1] =	stream.linear.gather [hbm4b:s4+s3], $0x80, $0x38;
	[tilespmem:$0x4180] =	vst v63  }
0x55: {  	_ = 	snop  }
0x56: {  	[tilespmem:s6], [sflag:$0x2] =	stream.linear.gather [hbm4b:s5+s3], $0x80, $0x38;
	[tilespmem:$0x4180] =	vst v63  }
0x57: {  	_ =	swait.ge [sflag:s7], $0x80  }
0x58: {  	[sflag:s7] =	ssyncset.done $0x0  }
0x59: {  	[sflag:s7] =	ssyncadd.s32 $0xFFFFFF80  }
0x5a: {  	_ =	swait.ge [sflag:s8], $0x80  }
0x5b: {  	[sflag:s8] =	ssyncset.done $0x0  }
0x5c: {  	[sflag:s8] =	ssyncadd.s32 $0xFFFFFF80  }
0x5d: {  	v0 =	vld [tilespmem:$0x0]  }
0x5e: {  	v1 =	vld [tilespmem:$0x10]  }
0x5f: {  	v2 =	vld [tilespmem:$0x80]  }
0x60: {  	v3 =	vld [tilespmem:$0x90];
	_ =	sdelay $0x1  }
0x61: {  	v0 =	vmul.u32 $0x3E8, v0  }
0x62: {  	v1 =	vmul.u32 $0x3E8, v1  }
0x63: {  	v0 =	vadd.s32 v2, v0  }
0x64: {  	[tilespmem:$0x100] =	vst v0;
	v0 =	vadd.s32 v3, v1  }
0x65: {  	[tilespmem:$0x110] =	vst v0  }
0x66: {  	[tilespmem:s11], [sflag:$0x3] =	stream.indirect.gather [hbm4b:s2+s9], $0x80, s10, s9, $0xb8;
	[tilespmem:$0x4180] =	vst v63  }
0x67: {  	v0 =	vld [tilespmem:$0x20]  }
0x68: {  	v1 =	vld [tilespmem:$0x30]  }
0x69: {  	v2 =	vld [tilespmem:$0xA0]  }
0x6a: {  	v3 =	vld [tilespmem:$0xB0];
	_ =	sdelay $0x1  }
0x6b: {  	v0 =	vmul.u32 $0x3E8, v0  }
0x6c: {  	v1 =	vmul.u32 $0x3E8, v1  }
0x6d: {  	v0 =	vadd.s32 v2, v0  }
0x6e: {  	[tilespmem:$0x120] =	vst v0;
	v0 =	vadd.s32 v3, v1  }
0x6f: {  	[tilespmem:$0x130] =	vst v0  }
0x70: {  	[tilespmem:s13], [sflag:$0x4] =	stream.indirect.gather [hbm4b:s2+s9], $0x80, s12, s9, $0xb8;
	[tilespmem:$0x4180] =	vst v63  }
0x71: {  	v0 =	vld [tilespmem:$0x40]  }
0x72: {  	v1 =	vld [tilespmem:$0x50]  }
0x73: {  	v2 =	vld [tilespmem:$0xC0]  }
0x74: {  	v3 =	vld [tilespmem:$0xD0];
	_ =	sdelay $0x1  }
0x75: {  	v0 =	vmul.u32 $0x3E8, v0  }
0x76: {  	v1 =	vmul.u32 $0x3E8, v1  }
0x77: {  	v0 =	vadd.s32 v2, v0  }
0x78: {  	[tilespmem:$0x140] =	vst v0;
	v0 =	vadd.s32 v3, v1  }
0x79: {  	[tilespmem:$0x150] =	vst v0  }
0x7a: {  	[tilespmem:s15], [sflag:$0x5] =	stream.indirect.gather [hbm4b:s2+s9], $0x80, s14, s9, $0xb8;
	[tilespmem:$0x4180] =	vst v63  }
0x7b: {  	v0 =	vld [tilespmem:$0x60]  }
0x7c: {  	v1 =	vld [tilespmem:$0x70]  }
0x7d: {  	v2 =	vld [tilespmem:$0xE0]  }
0x7e: {  	v3 =	vld [tilespmem:$0xF0];
	_ =	sdelay $0x1  }
0x7f: {  	v0 =	vmul.u32 $0x3E8, v0  }
0x80: {  	v1 =	vmul.u32 $0x3E8, v1  }
0x81: {  	v0 =	vadd.s32 v2, v0  }
0x82: {  	[tilespmem:$0x160] =	vst v0;
	v0 =	vadd.s32 v3, v1  }
0x83: {  	[tilespmem:$0x170] =	vst v0  }
0x84: {  	[tilespmem:s16], [sflag:$0x6] =	stream.indirect.gather [hbm4b:s2+s9], $0x80, s17, s9, $0xb8;
	[tilespmem:$0x4180] =	vst v63  }
0x85: {  	_ =	swait.ge [sflag:s18], $0x1000  }
0x86: {  	[sflag:s18] =	ssyncset.done $0x0  }
0x87: {  	[sflag:s18] =	ssyncadd.s32 $0xFFFFF000  }
0x88: {  	[hbm4b:s19+s3] =	stream.linear.scatter [tilespmem:s11], [sflag:$0x7], $0x1000, $0x38;
	[tilespmem:$0x4180] =	vst v63  }
0x89: {  	_ =	swait.ge [sflag:s20], $0x1000  }
0x8a: {  	[sflag:s20] =	ssyncset.done $0x0  }
0x8b: {  	[sflag:s20] =	ssyncadd.s32 $0xFFFFF000  }
0x8c: {  	[hbm4b:s21+s3] =	stream.linear.scatter [tilespmem:s13], [sflag:$0x8], $0x1000, $0x38;
	[tilespmem:$0x4180] =	vst v63  }
.Ltmp1:
0x8d: {  	_ =	swait.ge [sflag:s22], $0x1000;
	(pc) =	sbr.rel @p0 .LBB2_1-.Ltmp1, $4  }
0x8e: {  	[sflag:s22] =	ssyncset.done $0x0  }
0x8f: {  	[sflag:s22] =	ssyncadd.s32 $0xFFFFF000  }
0x90: {  	[hbm4b:s24+s3] =	stream.linear.scatter [tilespmem:s15], [sflag:$0x9], $0x1000, $0x38;
	[tilespmem:$0x4180] =	vst v63  }
0x91: {  	_ =	swait.ge [sflag:s25], $0x1000  }
.LBB2_2:
0x92: {  	[sflag:s25] =	ssyncset.done $0x0  }
0x93: {  	[sflag:s25] =	ssyncadd.s32 $0xFFFFF000  }
0x94: {  	[hbm4b:s31+s3] =	stream.linear.scatter [tilespmem:s16], [sflag:$0xA], $0x1000, $0x38;
	[tilespmem:$0x4180] =	vst v63  }
0x95: {  	_ =	swait.ge [sflag:s29], $0x1000  }
0x96: {  	[sflag:s29] =	ssyncset.done $0x0  }
0x97: {  	[sflag:s29] =	ssyncadd.s32 $0xFFFFF000  }
0x98: {  	_ =	swait.ge [sflag:s28], $0x1000  }
0x99: {  	[sflag:s28] =	ssyncset.done $0x0  }
0x9a: {  	[sflag:s28] =	ssyncadd.s32 $0xFFFFF000  }
0x9b: {  	_ =	swait.ge [sflag:s26], $0x1000  }
0x9c: {  	[sflag:s26] =	ssyncset.done $0x0  }
0x9d: {  	[sflag:s26] =	ssyncadd.s32 $0xFFFFF000  }
0x9e: {  	_ =	swait.ge [sflag:s23], $0x1000  }
0x9f: {  	[sflag:s23] =	ssyncset.done $0x0  }
0xa0: {  	[sflag:s23] =	ssyncadd.s32 $0xFFFFF000  }
0xa1: {  	_ =	sfence.sel $0x180000  }
0xa2: {  	[bflag:$0x0] =	sbarrier.arrive $0xFFFF  }
0xa3: {  	p0 =	sne.s32 s0, $0x0;
	_ =	strace $0x90000047  }
0xa4: {  	s0 =	sadd.s32 @!p0 $0x100000, s1;
	[bflag:$0x2] =	sbarrier.arrive $0xFFFF  }
0xa5: {  	[sflag:s0] =	ssyncadd.tile.s32 @!p0 $0x1;
	_ =	shalt  }
.Lfunc_end2:
_tile_overlayer_lowered:
.L_overlay_start_2:
0xa6: {  	(tag) =	ssettag $0x2  }
0xa7: {  	s0 =	rddreg [dreg:$0x0];
	s2 =	stileid.u32  }
0xa8: {  	s1 =	rddreg [dreg:$0x1];
	p0 =	sne.s32 s2, $0x0  }
0xa9: {  	s3 =	rddreg [dreg:$0x2];
	[bflag:$0x3] =	sbarrier.arrive $0xFFFF;
	s2 =	simm.s32 @!p0 $0x1C0B  }
0xaa: {  	[timem:s3], [sflag:s2] =	dma.local @!p0 [hbm:s0], s1  }
0xab: {  	s0 =	simm.s32 @!p0 $0xB  }
0xac: {  	_ =	swait.ge @!p0 [sflag:s0], s1  }
0xad: {  	s1 =	ssub.s32 @!p0 $0x0, s1;
	[sflag:s0] =	ssyncset.done @!p0 $0x0  }
0xae: {  	[sflag:s0] =	ssyncadd.s32 @!p0 s1  }
0xaf: {  	[bflag:$0x3] =	sbarrier.arrive $0xFFFF  }
0xb0: {  	_ =	shalt  }

</sc_bundles>
